<compile_context>
chip_gen: v7x
topology: tpu7x:2x2x1
jax: 0.10.2.dev20260603
libtpu: 0.0.44.dev20260713+nightly
codegen_flags: <defaults>
</compile_context>

<pallas_src>
import functools

import jax
import jax.numpy as jnp
from jax import lax
from jax.experimental import pallas as pl
from jax.experimental.pallas import tpu as pltpu
from jax.experimental.pallas import tpu_sc as plsc

_THRESH = 0.001
_ROWS, _COLS = 128, 32768
_NC, _NS, _L = 2, 16, 16
_NW = _NC * _NS
_RPW = _ROWS // _NW

_mesh = plsc.VectorSubcoreMesh(core_axis_name="c", subcore_axis_name="s")


@functools.partial(
    pl.kernel,
    out_type=jax.ShapeDtypeStruct((_NW, _RPW, _L), jnp.float32),
    mesh=_mesh,
    compiler_params=pltpu.CompilerParams(needs_layout_passes=False),
    scratch_types=(
        pltpu.VMEM((2, _COLS), jnp.float32),
        pltpu.VMEM((_RPW, _L), jnp.float32),
        pltpu.SemaphoreType.DMA,
        pltpu.SemaphoreType.DMA,
    ),
)
def _sc_count(x_hbm, cnt_hbm, x_v, c_v, ls0, ls1):
    wid = lax.axis_index("s") * _NC + lax.axis_index("c")
    lsem = (ls0, ls1)
    loads = [None, None]
    loads[0] = pltpu.async_copy(x_hbm.at[wid * _RPW], x_v.at[0], lsem[0])
    for r in range(_RPW):
        s = r % 2
        if r + 1 < _RPW:
            loads[(r + 1) % 2] = pltpu.async_copy(
                x_hbm.at[wid * _RPW + r + 1], x_v.at[(r + 1) % 2],
                lsem[(r + 1) % 2])
        loads[s].wait()

        def body(i, a):
            v = x_v[s, pl.ds(i * _L, _L)]
            m = jnp.abs(v) > _THRESH
            return a + plsc.all_reduce_population_count(m)

        acc = plsc.parallel_loop(
            0, _COLS // _L, 1, unroll=8,
            carry=jnp.zeros((_L,), jnp.int32))(body)
        c_v[r] = acc.astype(jnp.float32)
    pltpu.sync_copy(c_v, cnt_hbm.at[wid])


_BR = 8
_NSTEP = _ROWS // _BR


def _tc_body(x_ref, mask_ref, copy_ref):
    v = x_ref[...]
    mask_ref[...] = jnp.where(jnp.abs(v) > _THRESH, 1.0, 0.0)
    copy_ref[...] = v


_tc_mask_copy = pl.pallas_call(
    _tc_body,
    grid=(_NSTEP,),
    in_specs=[pl.BlockSpec((_BR, _COLS), lambda i: (i, 0))],
    out_specs=[
        pl.BlockSpec((_BR, _COLS), lambda i: (i, 0)),
        pl.BlockSpec((_BR, _COLS), lambda i: (i, 0)),
    ],
    out_shape=[
        jax.ShapeDtypeStruct((_ROWS, _COLS), jnp.float32),
        jax.ShapeDtypeStruct((_ROWS, _COLS), jnp.float32),
    ],
)


def kernel(x):
    mask, x_sparse = _tc_mask_copy(x)
    cnt = _sc_count(x)
    sparsity = cnt[:, :, 0].reshape(_ROWS)
    return (x_sparse, sparsity, mask)

# --- scband reference (transcript-rebuilt; emitter-appended) ---
"""Pipeline reference for scband-sparse-layer-5042291606146 (READ-ONLY COPY).

The authoritative reference and input builder live on the scoring server;
editing this copy changes nothing except your own understanding.
"""

import jax, jax.numpy as jnp
import numpy as np

THRESHOLD = 0.001

def setup_inputs(seed: int = 0) -> dict:
    key = jax.random.key(seed)
    x = jax.random.normal(key, (128, 32768), dtype=jnp.float32)
    return {"x": x}

def reference(x):
    # Eval-mode (deterministic) path of SparseLayer: thresholding.
    # mask = (|x| > threshold), sparsity = per-row count of surviving entries,
    # x_sparse = x (eval path does NOT apply the mask to x).
    mask = (jnp.abs(x) > THRESHOLD).astype(jnp.float32)
    sparsity = jnp.sum(mask, axis=1)
    x_sparse = x
    return (x_sparse, sparsity, mask)

if __name__ == "__main__":
    import jax
    _d = setup_inputs()
    print(jax.jit(kernel)(*tuple(_d.values())))

</pallas_src>

<mosaic_0001>
#map = affine_map<(d0, d1) -> (0, 0)>
#map1 = affine_map<(d0, d1) -> (0, 0, 0)>
module attributes {stable_mosaic.version = 14 : i64} {
  func.func @_sc_count(%arg0: i32, %arg1: i32, %arg2: memref<128x32768xf32, #tpu.memory_space<hbm>>, %arg3: memref<32x4x16xf32, #tpu.memory_space<hbm>>, %arg4: memref<2x32768xf32, #tpu.memory_space<vmem>>, %arg5: memref<4x16xf32, #tpu.memory_space<vmem>>, %arg6: memref<!tpu.dma_semaphore, #tpu.memory_space<semaphore_mem>>, %arg7: memref<!tpu.dma_semaphore, #tpu.memory_space<semaphore_mem>>) attributes {dimension_semantics = [#tpu.dimension_semantics<core_parallel>, #tpu.dimension_semantics<subcore_parallel>], iteration_bounds = array<i64: 2, 16>, scalar_prefetch = 0 : i64, scratch_operands = 4 : i64, tpu.core_type = #tpu.core_type<sc_vector_subcore>, window_params = [{transform_indices = #map}, {transform_indices = #map1}]} {
    %mul3A = arith.constant 2 : i32
    %mul3A_0 = arith.muli %arg1, %mul3A : i32
    %add3A = arith.addi %mul3A_0, %arg0 : i32
    %mul3A_1 = arith.constant 4 : i32
    %mul3A_2 = arith.muli %add3A, %mul3A_1 : i32
    %dma_start3A = arith.constant 0 : i32
    %dma_start3A_3 = arith.constant 0 : i32
    %dma_start3A_4 = tpu.memref_slice %arg4[%dma_start3A, %dma_start3A_3] : memref<2x32768xf32, #tpu.memory_space<vmem>> -> memref<1x32768xf32, #tpu.memory_space<vmem>>
    %dma_start3A_5 = tpu.memref_squeeze %dma_start3A_4 : memref<1x32768xf32, #tpu.memory_space<vmem>> -> memref<32768xf32, #tpu.memory_space<vmem>>
    %dma_start3A_6 = arith.constant 0 : i32
    %dma_start3A_7 = tpu.memref_slice %arg2[%mul3A_2, %dma_start3A_6] : memref<128x32768xf32, #tpu.memory_space<hbm>> -> memref<1x32768xf32, #tpu.memory_space<hbm>>
    %dma_start3A_8 = tpu.memref_squeeze %dma_start3A_7 : memref<1x32768xf32, #tpu.memory_space<hbm>> -> memref<32768xf32, #tpu.memory_space<hbm>>
    %dma_start3A_9 = arith.constant 0 : i32
    %dma_start3A_10 = tpu.memref_slice %arg4[%dma_start3A, %dma_start3A_9] : memref<2x32768xf32, #tpu.memory_space<vmem>> -> memref<1x32768xf32, #tpu.memory_space<vmem>>
    %dma_start3A_11 = tpu.memref_squeeze %dma_start3A_10 : memref<1x32768xf32, #tpu.memory_space<vmem>> -> memref<32768xf32, #tpu.memory_space<vmem>>
    %dma_start3A_12 = arith.constant 0 : i32
    %dma_start3A_13 = tpu.memref_slice %arg2[%mul3A_2, %dma_start3A_12] : memref<128x32768xf32, #tpu.memory_space<hbm>> -> memref<1x32768xf32, #tpu.memory_space<hbm>>
    %dma_start3A_14 = tpu.memref_squeeze %dma_start3A_13 : memref<1x32768xf32, #tpu.memory_space<hbm>> -> memref<32768xf32, #tpu.memory_space<hbm>>
    tpu.enqueue_dma source(%dma_start3A_14 : memref<32768xf32, #tpu.memory_space<hbm>>) target(%dma_start3A_11 : memref<32768xf32, #tpu.memory_space<vmem>>) target_semaphore(%arg6 : memref<!tpu.dma_semaphore, #tpu.memory_space<semaphore_mem>>)
    %mul3A_15 = arith.constant 4 : i32
    %mul3A_16 = arith.muli %add3A, %mul3A_15 : i32
    %add3A_17 = arith.constant 0 : i32
    %add3A_18 = arith.addi %mul3A_16, %add3A_17 : i32
    %add3A_19 = arith.constant 1 : i32
    %add3A_20 = arith.addi %add3A_18, %add3A_19 : i32
    %dma_start3A_21 = arith.constant 1 : i32
    %dma_start3A_22 = arith.constant 0 : i32
    %dma_start3A_23 = tpu.memref_slice %arg4[%dma_start3A_21, %dma_start3A_22] : memref<2x32768xf32, #tpu.memory_space<vmem>> -> memref<1x32768xf32, #tpu.memory_space<vmem>>
    %dma_start3A_24 = tpu.memref_squeeze %dma_start3A_23 : memref<1x32768xf32, #tpu.memory_space<vmem>> -> memref<32768xf32, #tpu.memory_space<vmem>>
    %dma_start3A_25 = arith.constant 0 : i32
    %dma_start3A_26 = tpu.memref_slice %arg2[%add3A_20, %dma_start3A_25] : memref<128x32768xf32, #tpu.memory_space<hbm>> -> memref<1x32768xf32, #tpu.memory_space<hbm>>
    %dma_start3A_27 = tpu.memref_squeeze %dma_start3A_26 : memref<1x32768xf32, #tpu.memory_space<hbm>> -> memref<32768xf32, #tpu.memory_space<hbm>>
    %dma_start3A_28 = arith.constant 0 : i32
    %dma_start3A_29 = tpu.memref_slice %arg4[%dma_start3A_21, %dma_start3A_28] : memref<2x32768xf32, #tpu.memory_space<vmem>> -> memref<1x32768xf32, #tpu.memory_space<vmem>>
    %dma_start3A_30 = tpu.memref_squeeze %dma_start3A_29 : memref<1x32768xf32, #tpu.memory_space<vmem>> -> memref<32768xf32, #tpu.memory_space<vmem>>
    %dma_start3A_31 = arith.constant 0 : i32
    %dma_start3A_32 = tpu.memref_slice %arg2[%add3A_20, %dma_start3A_31] : memref<128x32768xf32, #tpu.memory_space<hbm>> -> memref<1x32768xf32, #tpu.memory_space<hbm>>
    %dma_start3A_33 = tpu.memref_squeeze %dma_start3A_32 : memref<1x32768xf32, #tpu.memory_space<hbm>> -> memref<32768xf32, #tpu.memory_space<hbm>>
    tpu.enqueue_dma source(%dma_start3A_33 : memref<32768xf32, #tpu.memory_space<hbm>>) target(%dma_start3A_30 : memref<32768xf32, #tpu.memory_space<vmem>>) target_semaphore(%arg7 : memref<!tpu.dma_semaphore, #tpu.memory_space<semaphore_mem>>)
    %dma_wait3A = arith.constant 0 : i32
    %dma_wait3A_34 = arith.constant 0 : i32
    %dma_wait3A_35 = tpu.memref_slice %arg4[%dma_wait3A, %dma_wait3A_34] : memref<2x32768xf32, #tpu.memory_space<vmem>> -> memref<1x32768xf32, #tpu.memory_space<vmem>>
    %dma_wait3A_36 = tpu.memref_squeeze %dma_wait3A_35 : memref<1x32768xf32, #tpu.memory_space<vmem>> -> memref<32768xf32, #tpu.memory_space<vmem>>
    %dma_wait3A_37 = arith.constant 0 : i32
    %dma_wait3A_38 = tpu.memref_slice %arg2[%mul3A_2, %dma_wait3A_37] : memref<128x32768xf32, #tpu.memory_space<hbm>> -> memref<1x32768xf32, #tpu.memory_space<hbm>>
    %dma_wait3A_39 = tpu.memref_squeeze %dma_wait3A_38 : memref<1x32768xf32, #tpu.memory_space<hbm>> -> memref<32768xf32, #tpu.memory_space<hbm>>
    %dma_wait3A_40 = arith.constant 0 : i32
    %dma_wait3A_41 = tpu.memref_slice %arg4[%dma_wait3A, %dma_wait3A_40] : memref<2x32768xf32, #tpu.memory_space<vmem>> -> memref<1x32768xf32, #tpu.memory_space<vmem>>
    %dma_wait3A_42 = tpu.memref_squeeze %dma_wait3A_41 : memref<1x32768xf32, #tpu.memory_space<vmem>> -> memref<32768xf32, #tpu.memory_space<vmem>>
    %dma_wait3A_43 = arith.constant 0 : i32
    %dma_wait3A_44 = tpu.memref_slice %arg2[%mul3A_2, %dma_wait3A_43] : memref<128x32768xf32, #tpu.memory_space<hbm>> -> memref<1x32768xf32, #tpu.memory_space<hbm>>
    %dma_wait3A_45 = tpu.memref_squeeze %dma_wait3A_44 : memref<1x32768xf32, #tpu.memory_space<hbm>> -> memref<32768xf32, #tpu.memory_space<hbm>>
    tpu.wait_dma2 semaphore(%arg6 : memref<!tpu.dma_semaphore, #tpu.memory_space<semaphore_mem>>) src(%dma_wait3A_45 : memref<32768xf32, #tpu.memory_space<hbm>>) dst(%dma_wait3A_42 : memref<32768xf32, #tpu.memory_space<vmem>>)
    %broadcast_in_dim3A = arith.constant 0 : i32
    %broadcast_in_dim3A_46 = vector.broadcast %broadcast_in_dim3A : i32 to vector<16xi32>
    %parallel_loop3A = arith.constant 0 : i32
    %parallel_loop3A_47 = arith.constant 2048 : i32
    %parallel_loop3A_48 = arith.constant 1 : i32
    %parallel_loop3A_49 = scf.for %parallel_loop3A_163 = %parallel_loop3A to %parallel_loop3A_47 step %parallel_loop3A_48 iter_args(%parallel_loop3A_164 = %broadcast_in_dim3A_46) -> (vector<16xi32>)  : i32 {
      %parallel_loop3A_165 = arith.constant 16 : i32
      %parallel_loop3A_166 = arith.muli %parallel_loop3A_163, %parallel_loop3A_165 : i32
      %parallel_loop3A_167 = arith.constant 0 : i32
      %parallel_loop3A_168 = arith.index_cast %parallel_loop3A_167 : i32 to index
      %parallel_loop3A_169 = arith.index_cast %parallel_loop3A_166 : i32 to index
      %parallel_loop3A_170 = tpu.vector_load %arg4[%parallel_loop3A_168, %parallel_loop3A_169] {strides = array<i32>} : memref<2x32768xf32, #tpu.memory_space<vmem>>, vector<16xf32>,
      %parallel_loop3A_171 = math.absf %parallel_loop3A_170 : vector<16xf32>
      %parallel_loop3A_172 = arith.constant 1.000000e-03 : f32
      %parallel_loop3A_173 = vector.broadcast %parallel_loop3A_172 : f32 to vector<16xf32>
      %parallel_loop3A_174 = arith.cmpf ogt, %parallel_loop3A_171, %parallel_loop3A_173 : vector<16xf32>
      %parallel_loop3A_175 = tpu.all_reduce %parallel_loop3A_174 {dim = 0 : i64, kind = #tpu.reduction_kind<sum>} : vector<16xi1> -> vector<16xi32>
      %parallel_loop3A_176 = arith.addi %parallel_loop3A_164, %parallel_loop3A_175 : vector<16xi32>
      scf.yield %parallel_loop3A_176 : vector<16xi32>
    } {sc.loop_unroll_factor = 8 : i64, sc.parallel_access}
    %convert_element_type3A = arith.sitofp %parallel_loop3A_49 : vector<16xi32> to vector<16xf32>
    %swap3A = arith.constant 0 : i32
    %swap3A_50 = arith.index_cast %swap3A : i32 to index
    %swap3A_51 = arith.constant 0 : index
    %swap3A_52 = tpu.vector_load %arg5[%swap3A_50, %swap3A_51] {strides = array<i32>} : memref<4x16xf32, #tpu.memory_space<vmem>>, vector<16xf32>,
    tpu.vector_store %arg5[%swap3A_50, %swap3A_51], %convert_element_type3A {strides = array<i32>} : memref<4x16xf32, #tpu.memory_space<vmem>>, vector<16xf32>,
    %mul3A_53 = arith.constant 4 : i32
    %mul3A_54 = arith.muli %add3A, %mul3A_53 : i32
    %add3A_55 = arith.constant 1 : i32
    %add3A_56 = arith.addi %mul3A_54, %add3A_55 : i32
    %add3A_57 = arith.constant 1 : i32
    %add3A_58 = arith.addi %add3A_56, %add3A_57 : i32
    %dma_start3A_59 = arith.constant 0 : i32
    %dma_start3A_60 = arith.constant 0 : i32
    %dma_start3A_61 = tpu.memref_slice %arg4[%dma_start3A_59, %dma_start3A_60] : memref<2x32768xf32, #tpu.memory_space<vmem>> -> memref<1x32768xf32, #tpu.memory_space<vmem>>
    %dma_start3A_62 = tpu.memref_squeeze %dma_start3A_61 : memref<1x32768xf32, #tpu.memory_space<vmem>> -> memref<32768xf32, #tpu.memory_space<vmem>>
    %dma_start3A_63 = arith.constant 0 : i32
    %dma_start3A_64 = tpu.memref_slice %arg2[%add3A_58, %dma_start3A_63] : memref<128x32768xf32, #tpu.memory_space<hbm>> -> memref<1x32768xf32, #tpu.memory_space<hbm>>
    %dma_start3A_65 = tpu.memref_squeeze %dma_start3A_64 : memref<1x32768xf32, #tpu.memory_space<hbm>> -> memref<32768xf32, #tpu.memory_space<hbm>>
    %dma_start3A_66 = arith.constant 0 : i32
    %dma_start3A_67 = tpu.memref_slice %arg4[%dma_start3A_59, %dma_start3A_66] : memref<2x32768xf32, #tpu.memory_space<vmem>> -> memref<1x32768xf32, #tpu.memory_space<vmem>>
    %dma_start3A_68 = tpu.memref_squeeze %dma_start3A_67 : memref<1x32768xf32, #tpu.memory_space<vmem>> -> memref<32768xf32, #tpu.memory_space<vmem>>
    %dma_start3A_69 = arith.constant 0 : i32
    %dma_start3A_70 = tpu.memref_slice %arg2[%add3A_58, %dma_start3A_69] : memref<128x32768xf32, #tpu.memory_space<hbm>> -> memref<1x32768xf32, #tpu.memory_space<hbm>>
    %dma_start3A_71 = tpu.memref_squeeze %dma_start3A_70 : memref<1x32768xf32, #tpu.memory_space<hbm>> -> memref<32768xf32, #tpu.memory_space<hbm>>
    tpu.enqueue_dma source(%dma_start3A_71 : memref<32768xf32, #tpu.memory_space<hbm>>) target(%dma_start3A_68 : memref<32768xf32, #tpu.memory_space<vmem>>) target_semaphore(%arg6 : memref<!tpu.dma_semaphore, #tpu.memory_space<semaphore_mem>>)
    %dma_wait3A_72 = arith.constant 1 : i32
    %dma_wait3A_73 = arith.constant 0 : i32
    %dma_wait3A_74 = tpu.memref_slice %arg4[%dma_wait3A_72, %dma_wait3A_73] : memref<2x32768xf32, #tpu.memory_space<vmem>> -> memref<1x32768xf32, #tpu.memory_space<vmem>>
    %dma_wait3A_75 = tpu.memref_squeeze %dma_wait3A_74 : memref<1x32768xf32, #tpu.memory_space<vmem>> -> memref<32768xf32, #tpu.memory_space<vmem>>
    %dma_wait3A_76 = arith.constant 0 : i32
    %dma_wait3A_77 = tpu.memref_slice %arg2[%add3A_20, %dma_wait3A_76] : memref<128x32768xf32, #tpu.memory_space<hbm>> -> memref<1x32768xf32, #tpu.memory_space<hbm>>
    %dma_wait3A_78 = tpu.memref_squeeze %dma_wait3A_77 : memref<1x32768xf32, #tpu.memory_space<hbm>> -> memref<32768xf32, #tpu.memory_space<hbm>>
    %dma_wait3A_79 = arith.constant 0 : i32
    %dma_wait3A_80 = tpu.memref_slice %arg4[%dma_wait3A_72, %dma_wait3A_79] : memref<2x32768xf32, #tpu.memory_space<vmem>> -> memref<1x32768xf32, #tpu.memory_space<vmem>>
    %dma_wait3A_81 = tpu.memref_squeeze %dma_wait3A_80 : memref<1x32768xf32, #tpu.memory_space<vmem>> -> memref<32768xf32, #tpu.memory_space<vmem>>
    %dma_wait3A_82 = arith.constant 0 : i32
    %dma_wait3A_83 = tpu.memref_slice %arg2[%add3A_20, %dma_wait3A_82] : memref<128x32768xf32, #tpu.memory_space<hbm>> -> memref<1x32768xf32, #tpu.memory_space<hbm>>
    %dma_wait3A_84 = tpu.memref_squeeze %dma_wait3A_83 : memref<1x32768xf32, #tpu.memory_space<hbm>> -> memref<32768xf32, #tpu.memory_space<hbm>>
    tpu.wait_dma2 semaphore(%arg7 : memref<!tpu.dma_semaphore, #tpu.memory_space<semaphore_mem>>) src(%dma_wait3A_84 : memref<32768xf32, #tpu.memory_space<hbm>>) dst(%dma_wait3A_81 : memref<32768xf32, #tpu.memory_space<vmem>>)
    %broadcast_in_dim3A_85 = arith.constant 0 : i32
    %broadcast_in_dim3A_86 = vector.broadcast %broadcast_in_dim3A_85 : i32 to vector<16xi32>
    %parallel_loop3A_87 = arith.constant 0 : i32
    %parallel_loop3A_88 = arith.constant 2048 : i32
    %parallel_loop3A_89 = arith.constant 1 : i32
    %parallel_loop3A_90 = scf.for %parallel_loop3A_163 = %parallel_loop3A_87 to %parallel_loop3A_88 step %parallel_loop3A_89 iter_args(%parallel_loop3A_164 = %broadcast_in_dim3A_86) -> (vector<16xi32>)  : i32 {
      %parallel_loop3A_165 = arith.constant 16 : i32
      %parallel_loop3A_166 = arith.muli %parallel_loop3A_163, %parallel_loop3A_165 : i32
      %parallel_loop3A_167 = arith.constant 1 : i32
      %parallel_loop3A_168 = arith.index_cast %parallel_loop3A_167 : i32 to index
      %parallel_loop3A_169 = arith.index_cast %parallel_loop3A_166 : i32 to index
      %parallel_loop3A_170 = tpu.vector_load %arg4[%parallel_loop3A_168, %parallel_loop3A_169] {strides = array<i32>} : memref<2x32768xf32, #tpu.memory_space<vmem>>, vector<16xf32>,
      %parallel_loop3A_171 = math.absf %parallel_loop3A_170 : vector<16xf32>
      %parallel_loop3A_172 = arith.constant 1.000000e-03 : f32
      %parallel_loop3A_173 = vector.broadcast %parallel_loop3A_172 : f32 to vector<16xf32>
      %parallel_loop3A_174 = arith.cmpf ogt, %parallel_loop3A_171, %parallel_loop3A_173 : vector<16xf32>
      %parallel_loop3A_175 = tpu.all_reduce %parallel_loop3A_174 {dim = 0 : i64, kind = #tpu.reduction_kind<sum>} : vector<16xi1> -> vector<16xi32>
      %parallel_loop3A_176 = arith.addi %parallel_loop3A_164, %parallel_loop3A_175 : vector<16xi32>
      scf.yield %parallel_loop3A_176 : vector<16xi32>
    } {sc.loop_unroll_factor = 8 : i64, sc.parallel_access}
    %convert_element_type3A_91 = arith.sitofp %parallel_loop3A_90 : vector<16xi32> to vector<16xf32>
    %swap3A_92 = arith.constant 1 : i32
    %swap3A_93 = arith.index_cast %swap3A_92 : i32 to index
    %swap3A_94 = arith.constant 0 : index
    %swap3A_95 = tpu.vector_load %arg5[%swap3A_93, %swap3A_94] {strides = array<i32>} : memref<4x16xf32, #tpu.memory_space<vmem>>, vector<16xf32>,
    tpu.vector_store %arg5[%swap3A_93, %swap3A_94], %convert_element_type3A_91 {strides = array<i32>} : memref<4x16xf32, #tpu.memory_space<vmem>>, vector<16xf32>,
    %mul3A_96 = arith.constant 4 : i32
    %mul3A_97 = arith.muli %add3A, %mul3A_96 : i32
    %add3A_98 = arith.constant 2 : i32
    %add3A_99 = arith.addi %mul3A_97, %add3A_98 : i32
    %add3A_100 = arith.constant 1 : i32
    %add3A_101 = arith.addi %add3A_99, %add3A_100 : i32
    %dma_start3A_102 = arith.constant 1 : i32
    %dma_start3A_103 = arith.constant 0 : i32
    %dma_start3A_104 = tpu.memref_slice %arg4[%dma_start3A_102, %dma_start3A_103] : memref<2x32768xf32, #tpu.memory_space<vmem>> -> memref<1x32768xf32, #tpu.memory_space<vmem>>
    %dma_start3A_105 = tpu.memref_squeeze %dma_start3A_104 : memref<1x32768xf32, #tpu.memory_space<vmem>> -> memref<32768xf32, #tpu.memory_space<vmem>>
    %dma_start3A_106 = arith.constant 0 : i32
    %dma_start3A_107 = tpu.memref_slice %arg2[%add3A_101, %dma_start3A_106] : memref<128x32768xf32, #tpu.memory_space<hbm>> -> memref<1x32768xf32, #tpu.memory_space<hbm>>
    %dma_start3A_108 = tpu.memref_squeeze %dma_start3A_107 : memref<1x32768xf32, #tpu.memory_space<hbm>> -> memref<32768xf32, #tpu.memory_space<hbm>>
    %dma_start3A_109 = arith.constant 0 : i32
    %dma_start3A_110 = tpu.memref_slice %arg4[%dma_start3A_102, %dma_start3A_109] : memref<2x32768xf32, #tpu.memory_space<vmem>> -> memref<1x32768xf32, #tpu.memory_space<vmem>>
    %dma_start3A_111 = tpu.memref_squeeze %dma_start3A_110 : memref<1x32768xf32, #tpu.memory_space<vmem>> -> memref<32768xf32, #tpu.memory_space<vmem>>
    %dma_start3A_112 = arith.constant 0 : i32
    %dma_start3A_113 = tpu.memref_slice %arg2[%add3A_101, %dma_start3A_112] : memref<128x32768xf32, #tpu.memory_space<hbm>> -> memref<1x32768xf32, #tpu.memory_space<hbm>>
    %dma_start3A_114 = tpu.memref_squeeze %dma_start3A_113 : memref<1x32768xf32, #tpu.memory_space<hbm>> -> memref<32768xf32, #tpu.memory_space<hbm>>
    tpu.enqueue_dma source(%dma_start3A_114 : memref<32768xf32, #tpu.memory_space<hbm>>) target(%dma_start3A_111 : memref<32768xf32, #tpu.memory_space<vmem>>) target_semaphore(%arg7 : memref<!tpu.dma_semaphore, #tpu.memory_space<semaphore_mem>>)
    %dma_wait3A_115 = arith.constant 0 : i32
    %dma_wait3A_116 = arith.constant 0 : i32
    %dma_wait3A_117 = tpu.memref_slice %arg4[%dma_wait3A_115, %dma_wait3A_116] : memref<2x32768xf32, #tpu.memory_space<vmem>> -> memref<1x32768xf32, #tpu.memory_space<vmem>>
    %dma_wait3A_118 = tpu.memref_squeeze %dma_wait3A_117 : memref<1x32768xf32, #tpu.memory_space<vmem>> -> memref<32768xf32, #tpu.memory_space<vmem>>
    %dma_wait3A_119 = arith.constant 0 : i32
    %dma_wait3A_120 = tpu.memref_slice %arg2[%add3A_58, %dma_wait3A_119] : memref<128x32768xf32, #tpu.memory_space<hbm>> -> memref<1x32768xf32, #tpu.memory_space<hbm>>
    %dma_wait3A_121 = tpu.memref_squeeze %dma_wait3A_120 : memref<1x32768xf32, #tpu.memory_space<hbm>> -> memref<32768xf32, #tpu.memory_space<hbm>>
    %dma_wait3A_122 = arith.constant 0 : i32
    %dma_wait3A_123 = tpu.memref_slice %arg4[%dma_wait3A_115, %dma_wait3A_122] : memref<2x32768xf32, #tpu.memory_space<vmem>> -> memref<1x32768xf32, #tpu.memory_space<vmem>>
    %dma_wait3A_124 = tpu.memref_squeeze %dma_wait3A_123 : memref<1x32768xf32, #tpu.memory_space<vmem>> -> memref<32768xf32, #tpu.memory_space<vmem>>
    %dma_wait3A_125 = arith.constant 0 : i32
    %dma_wait3A_126 = tpu.memref_slice %arg2[%add3A_58, %dma_wait3A_125] : memref<128x32768xf32, #tpu.memory_space<hbm>> -> memref<1x32768xf32, #tpu.memory_space<hbm>>
    %dma_wait3A_127 = tpu.memref_squeeze %dma_wait3A_126 : memref<1x32768xf32, #tpu.memory_space<hbm>> -> memref<32768xf32, #tpu.memory_space<hbm>>
    tpu.wait_dma2 semaphore(%arg6 : memref<!tpu.dma_semaphore, #tpu.memory_space<semaphore_mem>>) src(%dma_wait3A_127 : memref<32768xf32, #tpu.memory_space<hbm>>) dst(%dma_wait3A_124 : memref<32768xf32, #tpu.memory_space<vmem>>)
    %broadcast_in_dim3A_128 = arith.constant 0 : i32
    %broadcast_in_dim3A_129 = vector.broadcast %broadcast_in_dim3A_128 : i32 to vector<16xi32>
    %parallel_loop3A_130 = arith.constant 0 : i32
    %parallel_loop3A_131 = arith.constant 2048 : i32
    %parallel_loop3A_132 = arith.constant 1 : i32
    %parallel_loop3A_133 = scf.for %parallel_loop3A_163 = %parallel_loop3A_130 to %parallel_loop3A_131 step %parallel_loop3A_132 iter_args(%parallel_loop3A_164 = %broadcast_in_dim3A_129) -> (vector<16xi32>)  : i32 {
      %parallel_loop3A_165 = arith.constant 16 : i32
      %parallel_loop3A_166 = arith.muli %parallel_loop3A_163, %parallel_loop3A_165 : i32
      %parallel_loop3A_167 = arith.constant 0 : i32
      %parallel_loop3A_168 = arith.index_cast %parallel_loop3A_167 : i32 to index
      %parallel_loop3A_169 = arith.index_cast %parallel_loop3A_166 : i32 to index
      %parallel_loop3A_170 = tpu.vector_load %arg4[%parallel_loop3A_168, %parallel_loop3A_169] {strides = array<i32>} : memref<2x32768xf32, #tpu.memory_space<vmem>>, vector<16xf32>,
      %parallel_loop3A_171 = math.absf %parallel_loop3A_170 : vector<16xf32>
      %parallel_loop3A_172 = arith.constant 1.000000e-03 : f32
      %parallel_loop3A_173 = vector.broadcast %parallel_loop3A_172 : f32 to vector<16xf32>
      %parallel_loop3A_174 = arith.cmpf ogt, %parallel_loop3A_171, %parallel_loop3A_173 : vector<16xf32>
      %parallel_loop3A_175 = tpu.all_reduce %parallel_loop3A_174 {dim = 0 : i64, kind = #tpu.reduction_kind<sum>} : vector<16xi1> -> vector<16xi32>
      %parallel_loop3A_176 = arith.addi %parallel_loop3A_164, %parallel_loop3A_175 : vector<16xi32>
      scf.yield %parallel_loop3A_176 : vector<16xi32>
    } {sc.loop_unroll_factor = 8 : i64, sc.parallel_access}
    %convert_element_type3A_134 = arith.sitofp %parallel_loop3A_133 : vector<16xi32> to vector<16xf32>
    %swap3A_135 = arith.constant 2 : i32
    %swap3A_136 = arith.index_cast %swap3A_135 : i32 to index
    %swap3A_137 = arith.constant 0 : index
    %swap3A_138 = tpu.vector_load %arg5[%swap3A_136, %swap3A_137] {strides = array<i32>} : memref<4x16xf32, #tpu.memory_space<vmem>>, vector<16xf32>,
    tpu.vector_store %arg5[%swap3A_136, %swap3A_137], %convert_element_type3A_134 {strides = array<i32>} : memref<4x16xf32, #tpu.memory_space<vmem>>, vector<16xf32>,
    %dma_wait3A_139 = arith.constant 1 : i32
    %dma_wait3A_140 = arith.constant 0 : i32
    %dma_wait3A_141 = tpu.memref_slice %arg4[%dma_wait3A_139, %dma_wait3A_140] : memref<2x32768xf32, #tpu.memory_space<vmem>> -> memref<1x32768xf32, #tpu.memory_space<vmem>>
    %dma_wait3A_142 = tpu.memref_squeeze %dma_wait3A_141 : memref<1x32768xf32, #tpu.memory_space<vmem>> -> memref<32768xf32, #tpu.memory_space<vmem>>
    %dma_wait3A_143 = arith.constant 0 : i32
    %dma_wait3A_144 = tpu.memref_slice %arg2[%add3A_101, %dma_wait3A_143] : memref<128x32768xf32, #tpu.memory_space<hbm>> -> memref<1x32768xf32, #tpu.memory_space<hbm>>
    %dma_wait3A_145 = tpu.memref_squeeze %dma_wait3A_144 : memref<1x32768xf32, #tpu.memory_space<hbm>> -> memref<32768xf32, #tpu.memory_space<hbm>>
    %dma_wait3A_146 = arith.constant 0 : i32
    %dma_wait3A_147 = tpu.memref_slice %arg4[%dma_wait3A_139, %dma_wait3A_146] : memref<2x32768xf32, #tpu.memory_space<vmem>> -> memref<1x32768xf32, #tpu.memory_space<vmem>>
    %dma_wait3A_148 = tpu.memref_squeeze %dma_wait3A_147 : memref<1x32768xf32, #tpu.memory_space<vmem>> -> memref<32768xf32, #tpu.memory_space<vmem>>
    %dma_wait3A_149 = arith.constant 0 : i32
    %dma_wait3A_150 = tpu.memref_slice %arg2[%add3A_101, %dma_wait3A_149] : memref<128x32768xf32, #tpu.memory_space<hbm>> -> memref<1x32768xf32, #tpu.memory_space<hbm>>
    %dma_wait3A_151 = tpu.memref_squeeze %dma_wait3A_150 : memref<1x32768xf32, #tpu.memory_space<hbm>> -> memref<32768xf32, #tpu.memory_space<hbm>>
    tpu.wait_dma2 semaphore(%arg7 : memref<!tpu.dma_semaphore, #tpu.memory_space<semaphore_mem>>) src(%dma_wait3A_151 : memref<32768xf32, #tpu.memory_space<hbm>>) dst(%dma_wait3A_148 : memref<32768xf32, #tpu.memory_space<vmem>>)
    %broadcast_in_dim3A_152 = arith.constant 0 : i32
    %broadcast_in_dim3A_153 = vector.broadcast %broadcast_in_dim3A_152 : i32 to vector<16xi32>
    %parallel_loop3A_154 = arith.constant 0 : i32
    %parallel_loop3A_155 = arith.constant 2048 : i32
    %parallel_loop3A_156 = arith.constant 1 : i32
    %parallel_loop3A_157 = scf.for %parallel_loop3A_163 = %parallel_loop3A_154 to %parallel_loop3A_155 step %parallel_loop3A_156 iter_args(%parallel_loop3A_164 = %broadcast_in_dim3A_153) -> (vector<16xi32>)  : i32 {
      %parallel_loop3A_165 = arith.constant 16 : i32
      %parallel_loop3A_166 = arith.muli %parallel_loop3A_163, %parallel_loop3A_165 : i32
      %parallel_loop3A_167 = arith.constant 1 : i32
      %parallel_loop3A_168 = arith.index_cast %parallel_loop3A_167 : i32 to index
      %parallel_loop3A_169 = arith.index_cast %parallel_loop3A_166 : i32 to index
      %parallel_loop3A_170 = tpu.vector_load %arg4[%parallel_loop3A_168, %parallel_loop3A_169] {strides = array<i32>} : memref<2x32768xf32, #tpu.memory_space<vmem>>, vector<16xf32>,
      %parallel_loop3A_171 = math.absf %parallel_loop3A_170 : vector<16xf32>
      %parallel_loop3A_172 = arith.constant 1.000000e-03 : f32
      %parallel_loop3A_173 = vector.broadcast %parallel_loop3A_172 : f32 to vector<16xf32>
      %parallel_loop3A_174 = arith.cmpf ogt, %parallel_loop3A_171, %parallel_loop3A_173 : vector<16xf32>
      %parallel_loop3A_175 = tpu.all_reduce %parallel_loop3A_174 {dim = 0 : i64, kind = #tpu.reduction_kind<sum>} : vector<16xi1> -> vector<16xi32>
      %parallel_loop3A_176 = arith.addi %parallel_loop3A_164, %parallel_loop3A_175 : vector<16xi32>
      scf.yield %parallel_loop3A_176 : vector<16xi32>
    } {sc.loop_unroll_factor = 8 : i64, sc.parallel_access}
    %convert_element_type3A_158 = arith.sitofp %parallel_loop3A_157 : vector<16xi32> to vector<16xf32>
    %swap3A_159 = arith.constant 3 : i32
    %swap3A_160 = arith.index_cast %swap3A_159 : i32 to index
    %swap3A_161 = arith.constant 0 : index
    %swap3A_162 = tpu.vector_load %arg5[%swap3A_160, %swap3A_161] {strides = array<i32>} : memref<4x16xf32, #tpu.memory_space<vmem>>, vector<16xf32>,
    tpu.vector_store %arg5[%swap3A_160, %swap3A_161], %convert_element_type3A_158 {strides = array<i32>} : memref<4x16xf32, #tpu.memory_space<vmem>>, vector<16xf32>,
    "tpu.region"() ({
      %run_scoped3A = tpu.sem_alloc : memref<!tpu.dma_semaphore, #tpu.memory_space<semaphore_mem>>
      %dma_start3A_163 = arith.constant 0 : i32
      %dma_start3A_164 = arith.constant 0 : i32
      %dma_start3A_165 = tpu.memref_slice %arg3[%add3A, %dma_start3A_163, %dma_start3A_164] : memref<32x4x16xf32, #tpu.memory_space<hbm>> -> memref<1x4x16xf32, #tpu.memory_space<hbm>>
      %dma_start3A_166 = tpu.memref_squeeze %dma_start3A_165 : memref<1x4x16xf32, #tpu.memory_space<hbm>> -> memref<4x16xf32, #tpu.memory_space<hbm>>
      %dma_start3A_167 = arith.constant 0 : i32
      %dma_start3A_168 = arith.constant 0 : i32
      %dma_start3A_169 = tpu.memref_slice %arg3[%add3A, %dma_start3A_167, %dma_start3A_168] : memref<32x4x16xf32, #tpu.memory_space<hbm>> -> memref<1x4x16xf32, #tpu.memory_space<hbm>>
      %dma_start3A_170 = tpu.memref_squeeze %dma_start3A_169 : memref<1x4x16xf32, #tpu.memory_space<hbm>> -> memref<4x16xf32, #tpu.memory_space<hbm>>
      tpu.enqueue_dma source(%arg5 : memref<4x16xf32, #tpu.memory_space<vmem>>) target(%dma_start3A_170 : memref<4x16xf32, #tpu.memory_space<hbm>>) target_semaphore(%run_scoped3A : memref<!tpu.dma_semaphore, #tpu.memory_space<semaphore_mem>>)
      %dma_wait3A_171 = arith.constant 0 : i32
      %dma_wait3A_172 = arith.constant 0 : i32
      %dma_wait3A_173 = tpu.memref_slice %arg3[%add3A, %dma_wait3A_171, %dma_wait3A_172] : memref<32x4x16xf32, #tpu.memory_space<hbm>> -> memref<1x4x16xf32, #tpu.memory_space<hbm>>
      %dma_wait3A_174 = tpu.memref_squeeze %dma_wait3A_173 : memref<1x4x16xf32, #tpu.memory_space<hbm>> -> memref<4x16xf32, #tpu.memory_space<hbm>>
      %dma_wait3A_175 = arith.constant 0 : i32
      %dma_wait3A_176 = arith.constant 0 : i32
      %dma_wait3A_177 = tpu.memref_slice %arg3[%add3A, %dma_wait3A_175, %dma_wait3A_176] : memref<32x4x16xf32, #tpu.memory_space<hbm>> -> memref<1x4x16xf32, #tpu.memory_space<hbm>>
      %dma_wait3A_178 = tpu.memref_squeeze %dma_wait3A_177 : memref<1x4x16xf32, #tpu.memory_space<hbm>> -> memref<4x16xf32, #tpu.memory_space<hbm>>
      tpu.wait_dma2 semaphore(%run_scoped3A : memref<!tpu.dma_semaphore, #tpu.memory_space<semaphore_mem>>) src(%arg5 : memref<4x16xf32, #tpu.memory_space<vmem>>) dst(%dma_wait3A_178 : memref<4x16xf32, #tpu.memory_space<hbm>>)
      tpu.yield
    }) : () -> ()
    return
  }
}

module attributes {stable_mosaic.version = 14 : i64} {
  func.func @_tc_body(%arg0: i32, %arg1: memref<8x32768xf32, #tpu.memory_space<vmem>>, %arg2: memref<8x32768xf32, #tpu.memory_space<vmem>>, %arg3: memref<8x32768xf32, #tpu.memory_space<vmem>>) attributes {dimension_semantics = [#tpu.dimension_semantics<arbitrary>], iteration_bounds = array<i64: 16>, scalar_prefetch = 0 : i64, scratch_operands = 0 : i64, tpu.core_type = #tpu.core_type<tc>, window_params = [{transform_indices = @transform_0, window_bounds = array<i64: 8, 32768>}, {transform_indices = @transform_1, window_bounds = array<i64: 8, 32768>}, {transform_indices = @transform_2, window_bounds = array<i64: 8, 32768>}]} {
    %get3A = arith.constant 0 : index
    %get3A_0 = arith.constant 0 : index
    %get3A_1 = vector.load %arg1[%get3A, %get3A_0] : memref<8x32768xf32, #tpu.memory_space<vmem>>, vector<8x32768xf32>
    %abs3A = math.absf %get3A_1 : vector<8x32768xf32>
    %gt3A = arith.constant 1.000000e-03 : f32
    %gt3A_2 = vector.broadcast %gt3A : f32 to vector<8x32768xf32>
    %gt3A_3 = arith.cmpf ogt, %abs3A, %gt3A_2 : vector<8x32768xf32>
    %jit3A = arith.constant 1.000000e+00 : f32
    %jit3A_4 = arith.constant 0.000000e+00 : f32
    %broadcast_in_dim3A = vector.broadcast %jit3A : f32 to vector<8x32768xf32>
    %broadcast_in_dim3A_5 = vector.broadcast %jit3A_4 : f32 to vector<8x32768xf32>
    %select_n3A = arith.select %gt3A_3, %broadcast_in_dim3A, %broadcast_in_dim3A_5 : vector<8x32768xi1>, vector<8x32768xf32>
    %swap3A = arith.constant 0 : index
    %swap3A_6 = arith.constant 0 : index
    %swap3A_7 = vector.load %arg2[%swap3A, %swap3A_6] : memref<8x32768xf32, #tpu.memory_space<vmem>>, vector<8x32768xf32>
    tpu.vector_store %arg2[%swap3A, %swap3A_6], %select_n3A {strides = array<i32>} : memref<8x32768xf32, #tpu.memory_space<vmem>>, vector<8x32768xf32>,
    %swap3A_8 = arith.constant 0 : index
    %swap3A_9 = arith.constant 0 : index
    %swap3A_10 = vector.load %arg3[%swap3A_8, %swap3A_9] : memref<8x32768xf32, #tpu.memory_space<vmem>>, vector<8x32768xf32>
    tpu.vector_store %arg3[%swap3A_8, %swap3A_9], %get3A_1 {strides = array<i32>} : memref<8x32768xf32, #tpu.memory_space<vmem>>, vector<8x32768xf32>,
    return
  }
  func.func @transform_0(%arg0: i32) -> (i32, i32) {
    %c0_i32 = arith.constant 0 : i32
    %c0_i32_0 = arith.constant 0 : i32
    return %arg0, %c0_i32 : i32, i32
  }
  func.func @transform_1(%arg0: i32) -> (i32, i32) {
    %c0_i32 = arith.constant 0 : i32
    %c0_i32_0 = arith.constant 0 : i32
    return %arg0, %c0_i32 : i32, i32
  }
  func.func @transform_2(%arg0: i32) -> (i32, i32) {
    %c0_i32 = arith.constant 0 : i32
    %c0_i32_0 = arith.constant 0 : i32
    return %arg0, %c0_i32 : i32, i32
  }
}

</mosaic_0001>

<sc_bundles>
// kernel: kernel.4.cloned.1.call-start
scs
__scs_entry_jumppad:
0x0: {  	(pc) =	sbr.rel $0x88, $3  }
0x1: {  	(tag) =	ssettag $0x0;
	lr =	simm.s32 $0x1  }
0x2: {  	[smem:$0x3FA0] =	sst lr;
	_ =	strace $0xD0000000  }
0x3: {  	_ = 	snop  }
0x4: {  	_ = 	snop  }
0x5: {  	_ = 	snop  }
0x6: {  	_ = 	snop  }
0x7: {  	_ = 	snop  }
__scs_overlays_trampoline_lowered:
0x8: {  	[smem:$0x3FAF] =	sst s0  }
0x9: {  	[smem:$0x3FB0] =	sst s1  }
0xa: {  	[smem:$0x3FB1] =	sst s2  }
0xb: {  	[smem:$0x3FB2] =	sst s3  }
0xc: {  	[smem:$0x3FB3] =	sst s4  }
0xd: {  	[smem:$0x3FB4] =	sst s5  }
0xe: {  	[smem:$0x3FB5] =	sst s6  }
0xf: {  	[smem:$0x3FB6] =	sst s7  }
0x10: {  	[smem:$0x3FB7] =	sst s8  }
0x11: {  	[smem:$0x3FB8] =	sst s9;
	s0 =	simm.s32 @!p0 $0x0  }
0x12: {  	s1 =	sld [smem:$0x3F9E];
	s0 =	simm.s32 @p0 $0x1  }
0x13: {  	[smem:$0x3FB9] =	sst s0;
	s0 =	simm.s32 @!p1 $0x0  }
0x14: {  	s2 =	sld [smem:$0x3F9D];
	s0 =	simm.s32 @p1 $0x1  }
0x15: {  	[smem:$0x3FBA] =	sst s0;
	s0 =	simm.s32 @!p2 $0x0  }
0x16: {  	s3 =	sld [smem:$0x3FDB];
	s0 =	simm.s32 @p2 $0x1  }
0x17: {  	s4 =	simm.s32 $0x1BF5;
	[smem:$0x3FBC] =	sst s0  }
0x18: {  	s0 =	sld [smem:$0x3F9F];
	_ =	swait.ge [sflag:s4], $0x0  }
0x19: {  	s7 =	sld [smem:$0x3FA0]  }
0x1a: {  	s8 =	sadd.s32 $0xFFFFE003, lr  }
0x1b: {  	s9 =	sadd.s32 $0xFFFFFEF7, lr;
	s5 =	simm.s32 $0xFFFFFFFF;
	p2 =	slt.u32 s8, $0xFFFFF086  }
0x1c: {  	p1 =	slt.u32 s9, $0xF7A;
	s5 =	simm.s32 @!p2 $0x0  }
0x1d: {  	s5 =	simm.s32 @p1 $0x1;
	p0 =	seq.s32 s7, s2  }
0x1e: {  	s7 =	smul.u32 @!p0 $0xF7A, s2;
	p2 =	seq.s32 @!p0 s5, $0x0  }
0x1f: {  	s9 =	smul.u32 $0xF7A, s1;
	s8 =	simm.s32 @!p0 $0x1BF5;
	p2 =	por !p2, p0  }
0x20: {  	[sflag:s8] =	ssyncset.s32 @!p0 $0xFFFFF086;
	s6 =	sadd.s32 @!p0 s3, s7;
	s7 =	simm.s32 @!p0 $0x108  }
0x21: {  	s3 =	sadd.s32 s3, s9;
	s6 =	sadd.s32 @!p0 $0x88, s6;
	s7 =	simm.s32 @p2 $0x1082  }
0x22: {  	[simem:s7], [sflag:s8] =	dma.local @!p0 [hbm:s6], $0xF7A  }
0x23: {  	s9 =	sor.u32 $0xD0000000, s2;
	s6 =	simm.s32 $0x108;
	_ =	swait.ge @!p0 [sflag:s8], $0x0  }
0x24: {  	s3 =	sadd.s32 $0x88, s3;
	s6 =	simm.s32 @!p1 $0x1082;
	[sflag:s4] =	ssyncset.s32 $0xFFFFF086  }
0x25: {  	[simem:s6], [sflag:s4] =	dma.local [hbm:s3], $0xF7A  }
0x26: {  	[smem:$0x3FA0] =	sst s1;
	(tag) =	ssettag s2;
	_ =	strace s9  }
0x27: {  	s1 =	sld [smem:$0x3FB0]  }
0x28: {  	s2 =	sld [smem:$0x3FB1]  }
0x29: {  	s4 =	sld [smem:$0x3FB3]  }
0x2a: {  	p0 =	seq.s32 s5, $0x0;
	s5 =	sld [smem:$0x3FB4]  }
0x2b: {  	s6 =	sld [smem:$0x3FB5]  }
0x2c: {  	s7 =	sld [smem:$0x3FB6]  }
0x2d: {  	s3 =	simm.s32 $0x108;
	s8 =	sld [smem:$0x3FB7]  }
0x2e: {  	s3 =	simm.s32 @!p0 $0x1082;
	s9 =	sld [smem:$0x3FB8]  }
0x2f: {  	lr =	sadd.s32 s0, s3;
	s0 =	sld [smem:$0x3FAF]  }
0x30: {  	s3 =	sld [smem:$0x3FB2]  }
0x31: {  	[smem:$0x3FBB] =	sst s10  }
0x32: {  	s10 =	sld [smem:$0x3FB9];
	_ =	sdelay $0x3  }
0x33: {  	p0 =	seq.s32 s10, $0x1;
	s10 =	sld [smem:$0x3FBB];
	_ =	sdelay $0x3  }
0x34: {  	[smem:$0x3FBB] =	sst s10  }
0x35: {  	s10 =	sld [smem:$0x3FBA];
	_ =	sdelay $0x3  }
0x36: {  	p1 =	seq.s32 s10, $0x1;
	s10 =	sld [smem:$0x3FBB];
	_ =	sdelay $0x3  }
0x37: {  	[smem:$0x3FBB] =	sst s10  }
0x38: {  	s10 =	sld [smem:$0x3FBC]  }
0x39: {  	_ = 	snop;
	(pc) =	sbr.ind lr, $3  }
0x3a: {  	_ = 	snop  }
0x3b: {  	_ = 	snop  }
0x3c: {  	p2 =	seq.s32 s10, $0x1;
	s10 =	sld [smem:$0x3FBB]  }
0x3d: {  	_ =	shalt  }
0x3e: {  	_ =	shalt  }
0x3f: {  	_ =	shalt  }
0x40: {  	_ =	shalt  }
0x41: {  	_ =	shalt  }
0x42: {  	_ =	shalt  }
0x43: {  	_ =	shalt  }
0x44: {  	_ =	shalt  }
0x45: {  	_ =	shalt  }
0x46: {  	_ =	shalt  }
0x47: {  	_ =	shalt  }
0x48: {  	_ =	shalt  }
0x49: {  	_ =	shalt  }
0x4a: {  	_ =	shalt  }
0x4b: {  	_ =	shalt  }
0x4c: {  	_ =	shalt  }
0x4d: {  	_ =	shalt  }
0x4e: {  	_ =	shalt  }
0x4f: {  	_ =	shalt  }
0x50: {  	_ =	shalt  }
0x51: {  	_ =	shalt  }
0x52: {  	_ =	shalt  }
0x53: {  	_ =	shalt  }
0x54: {  	_ =	shalt  }
0x55: {  	_ =	shalt  }
0x56: {  	_ =	shalt  }
0x57: {  	_ =	shalt  }
0x58: {  	_ =	shalt  }
0x59: {  	_ =	shalt  }
0x5a: {  	_ =	shalt  }
0x5b: {  	_ =	shalt  }
0x5c: {  	_ =	shalt  }
0x5d: {  	_ =	shalt  }
0x5e: {  	_ =	shalt  }
0x5f: {  	_ =	shalt  }
0x60: {  	_ =	shalt  }
0x61: {  	_ =	shalt  }
0x62: {  	_ =	shalt  }
0x63: {  	_ =	shalt  }
0x64: {  	_ =	shalt  }
0x65: {  	_ =	shalt  }
0x66: {  	_ =	shalt  }
0x67: {  	_ =	shalt  }
0x68: {  	_ =	shalt  }
0x69: {  	_ =	shalt  }
0x6a: {  	_ =	shalt  }
0x6b: {  	_ =	shalt  }
0x6c: {  	_ =	shalt  }
0x6d: {  	_ =	shalt  }
0x6e: {  	_ =	shalt  }
0x6f: {  	_ =	shalt  }
0x70: {  	_ =	shalt  }
0x71: {  	_ =	shalt  }
0x72: {  	_ =	shalt  }
0x73: {  	_ =	shalt  }
0x74: {  	_ =	shalt  }
0x75: {  	_ =	shalt  }
0x76: {  	_ =	shalt  }
0x77: {  	_ =	shalt  }
0x78: {  	_ =	shalt  }
0x79: {  	_ =	shalt  }
0x7a: {  	_ =	shalt  }
0x7b: {  	_ =	shalt  }
0x7c: {  	_ =	shalt  }
0x7d: {  	_ =	shalt  }
0x7e: {  	_ =	shalt  }
0x7f: {  	_ =	shalt  }
0x80: {  	_ =	shalt  }
0x81: {  	_ =	shalt  }
0x82: {  	_ =	shalt  }
0x83: {  	_ =	shalt  }
0x84: {  	_ =	shalt  }
0x85: {  	_ =	shalt  }
0x86: {  	_ =	shalt  }
0x87: {  	_ =	shalt  }
.Lfunc_end0:
.L_simem_size_0:
called_computation_lowered:
.L_overlay_start_0:
0x88: {  	s2 =	sld [smem:$0x3FD9]  }
0x89: {  	s3 =	sld [smem:$0x3FFE];
	_ =	sdelay $0x1  }
0x8a: {  	s1 =	srdreg.scid  }
0x8b: {  	s0 =	sand.u32 $0x1, s1  }
0x8c: {  	s17 =	sshll.u32 s0, $0xA;
	s2 =	sadd.s32 s3, s2  }
0x8d: {  	s2 =	sadd.s32 s2, s17  }
0x8e: {  	[smem:$0x3FC7] =	sst s2  }
0x8f: {  	_ = 	snop  }
0x90: {  	s2 =	sld [smem:$0x3FC9];
	(tm) =	ssettm $0x1  }
0x91: {  	s18 =	sld [smem:$0x3FFB];
	_ =	sdelay $0x3  }
0x92: {  	_ =	strace s18  }
0x93: {  	s3 =	sld [smem:$0x3FFC];
	_ =	sdelay $0x3  }
0x94: {  	_ =	strace s3  }
0x95: {  	s3 =	sld [smem:$0x3FFD];
	_ =	sdelay $0x3  }
0x96: {  	_ =	strace s3  }
0x97: {  	_ =	strace $0x8FFFFFFF  }
0x98: {  	s19 =	sld [smem:$0x3FDB];
	_ =	sdelay $0x1  }
0x99: {  	s4 =	simm.s32 $_scs_section_size  }
0x9a: {  	s5 =	simm.s32 $_size__tile_overlayer_lowered;
	s6 =	simm.s32 $_tile_overlayer_lowered  }
0x9b: {  	s22 =	simm.s32 $0x1BFF;
	s21 =	sshll.u32 s6, $0x1;
	s3 =	sadd.s32 s4, s19  }
0x9c: {  	s7 =	simm.s32 $0x0;
	s20 =	sshll.u32 s5, $0x1;
	s5 =	sadd.s32 s21, s3  }
0x9d: {  	[timem:s7], [sflag:s22] =	dma.local [hbm:s5], s20  }
0x9e: {  	_ =	swait.ge [sflag:s22], s20  }
0x9f: {  	s4 =	ssub.s32 $0x0, s20;
	[sflag:s22] =	ssyncset.done $0x0  }
0xa0: {  	[sflag:s22] =	ssyncadd.s32 s4;
	_ =	sdelay $0x1  }
0xa1: {  	s23 =	simm.s32 $0x1B8B  }
0xa2: {  	_ =	swait.ge [sflag:s23], $0x1  }
0xa3: {  	[sflag:s23] =	ssyncset.done $0x0  }
0xa4: {  	s25 =	simm.s32 $0x1B8E;
	s24 =	sld [smem:$0x3FFE];
	[sflag:s23] =	ssyncadd.s32 $0xFFFFFFFF  }
0xa5: {  	s26 =	simm.s32 $execute0_lowered;
	[smem:$0x3FD2] =	sst s25  }
0xa6: {  	s5 =	sshll.u32 s26, $0x1;
	_ =	strace $0x80000046;
	[dreg:$0x1] =	wrdreg $0xFFFFFFFF  }
0xa7: {  	s28 =	simm.s32 $_size_execute0_lowered;
	s3 =	sadd.s32 s3, s5;
	[dreg:$0x0] =	wrdreg $0x0  }
0xa8: {  	s5 =	sshll.u32 s28, $0x1;
	[dreg:$0x2] =	wrdreg s3  }
0xa9: {  	[dreg:$0x3] =	wrdreg s5  }
0xaa: {  	[dreg:$0x4] =	wrdreg $0xC0  }
0xab: {  	_ =	task [dreg:s7], $0x5FFFF  }
0xac: {  	[dreg:$0x1] =	wrdreg $0xFFFFFFFF  }
0xad: {  	[dreg:$0x0] =	wrdreg $0x60  }
0xae: {  	[dreg:$0x2] =	wrdreg s2  }
0xaf: {  	[dreg:$0x3] =	wrdreg s24  }
0xb0: {  	[dreg:$0x4] =	wrdreg $0x9  }
0xb1: {  	_ =	task.clear_ibuf [dreg:s7], $0x5FFFF;
	_ =	strace $0x90000046  }
0xb2: {  	s29 =	simm.s32 $0x9;
	_ =	strace $0x80000048  }
0xb3: {  	_ =	swait.ge [sflag:s29], $0x1  }
0xb4: {  	[sflag:s29] =	ssyncadd.s32 $0xFFFFFFFF  }
0xb5: {  	_ =	strace $0x90000048  }
0xb6: {  	_ =	sfence  }
0xb7: {  	s30 =	sld [smem:$0x0];
	_ =	sdelay $0x2  }
0xb8: {  	s31 =	sshll.u32 s1, $0xD;
	s1 =	sshrl.u32 s1, $0x2  }
0xb9: {  	s3 =	sand.u32 $0x4000, s31;
	s1 =	sadd.s32 s1, s30  }
0xba: {  	s0 =	sor.u32 s3, s0;
	s1 =	sshll.u32 s1, $0x11  }
0xbb: {  	s0 =	sor.u32 s1, s0  }
0xbc: {  	s0 =	sadd.s32 $0x8F2B, s0  }
0xbd: {  	[sflag:s0] =	ssyncadd.remote.s32 $0x1  }
0xbe: {  	_ =	sfence.sel $0xFFFF  }
0xbf: {  	[dreg:$0x0] =	wrdreg $0xFFFFFFFF;
	(pc) =	sbr.abs _section_cstart, $3  }
0xc0: {  	[dreg:$0x1] =	wrdreg $0xFFFFFFFF  }
0xc1: {  	_ =	task.clear_ibuf [dreg:s7], $0x2FFFF;
	_ =	strace $0x9FFFFFFF  }
0xc2: {  	(tm) =	ssettm $0x7FFFFFFF  }
0xc3: {  	_ =	shalt  }
tec
execute0_lowered:
.L_overlay_start_1:
0x0: {  	(tag) =	ssettag $0x1  }
0x1: {  	s3 =	rddreg [dreg:$0x0]  }
0x2: {  	s4 =	rddreg [dreg:$0x1]  }
0x3: {  	s0 =	rddreg [dreg:$0x2];
	s2 =	simm.s32 $0x0;
	s1 =	srdreg.scid  }
0x4: {  	s10 =	simm.s32 $0x2;
	s11 =	simm.s32 $0x10000;
	s12 =	simm.s32 $0x3  }
0x5: {  	s13 =	simm.s32 $0x0;
	[smem:$0x7FF] =	sst s2;
	s5 =	sand.u32 $0x1, s1  }
0x6: {  	s1 =	stileid.u32;
	_ =	strace $0x80000047;
	s6 =	sshll.u32 s5, $0x6  }
0x7: {  	s7 =	sshll.u32 s1, $0xF;
	s26 =	ssub.s32 $0x2, s5;
	s30 =	sshll.u32 s1, $0x7  }
0x8: {  	s8 =	sadd.s32 s6, s4;
	s28 =	sor.u32 s6, s7;
	s29 =	sshrl.u32 s26, $0x1  }
0x9: {  	s3 =	sadd.s32 s3, s28;
	s9 =	ssub.s32 s26, s29;
	s31 =	sadd.s32 s30, s8  }
0xa: {  	s4 =	sadd.s32 $0x10, s3;
	s5 =	sadd.s32 $0x20, s3;
	s6 =	sadd.s32 $0x30, s3  }
0xb: {  	s7 =	sadd.s32 $0x400, s31;
	s8 =	smax.u32 s9, $0x1;
	s9 =	simm.s32 $0x1  }
.LBB2_1:
0xc: {  	s14 =	simm.s32 $0x80  }
0xd: {  	s17 =	sadd.s32 $0x0, s3;
	s15 =	simm.s32 $0x100;
	s16 =	simm.s32 $0x0  }
.LBB2_2:
0xe: {  	[tilespmem:s16], [sflag:$0x1] =	stream.linear.gather [hbm4b:s17+s2], $0x80, $0x38;
	[tilespmem:$0x10200] =	vst v63  }
0xf: {  	s17 =	smov.u32 s14;
	s16 =	smov.u32 s15;
	p0 =	sne.s32 s14, $0x7F80  }
.Ltmp0:
0x10: {  	s14 =	sadd.s32 $0x80, s14;
	(pc) =	sbr.rel @p0 .LBB2_2-.Ltmp0, $2  }
0x11: {  	_ =	sdelay $0x2  }
0x12: {  	s15 =	sadd.s32 $0x100, s15;
	s17 =	sadd.s32 s17, s3  }
0x13: {  	[tilespmem:s16], [sflag:$0x1] =	stream.linear.gather [hbm4b:s17+s2], $0x80, $0x38;
	[tilespmem:$0x10200] =	vst v63  }
0x14: {  	s14 =	simm.s32 $0x80  }
0x15: {  	s15 =	simm.s32 $0x80;
	s17 =	sadd.s32 $0x0, s4;
	s16 =	simm.s32 $0x180  }
.LBB2_4:
0x16: {  	[tilespmem:s14], [sflag:$0x2] =	stream.linear.gather [hbm4b:s17+s2], $0x80, $0x38;
	[tilespmem:$0x10200] =	vst v63  }
0x17: {  	s17 =	smov.u32 s15;
	s14 =	smov.u32 s16;
	p0 =	sne.s32 s15, $0x7F80  }
.Ltmp1:
0x18: {  	s15 =	sadd.s32 $0x80, s15;
	(pc) =	sbr.rel @p0 .LBB2_4-.Ltmp1, $2  }
0x19: {  	_ =	sdelay $0x2  }
0x1a: {  	s16 =	sadd.s32 $0x100, s16;
	s17 =	sadd.s32 s17, s4  }
0x1b: {  	[tilespmem:s14], [sflag:$0x2] =	stream.linear.gather [hbm4b:s17+s2], $0x80, $0x38;
	[tilespmem:$0x10200] =	vst v63  }
0x1c: {  	_ =	swait.ge [sflag:s9], $0x8000  }
0x1d: {  	[sflag:s9] =	ssyncset.done $0x0  }
0x1e: {  	s15 =	simm.s32 $0x40;
	[sflag:s9] =	ssyncadd.s32 $0xFFFF8000  }
0x1f: {  	v0 =	vld [tilespmem:s15+$0x30]  }
0x20: {  	v1 =	vld [tilespmem:s15+$0x20]  }
0x21: {  	v5 =	vld [tilespmem:s15+$0xFFFFFFC0]  }
0x22: {  	v2 =	vld [tilespmem:s15+$0x10]  }
0x23: {  	v6 =	vld [tilespmem:s15+$0x0]  }
0x24: {  	v7 =	vld [tilespmem:s15+$0xFFFFFFD0]  }
0x25: {  	v3 =	vld [tilespmem:s15+$0xFFFFFFE0]  }
0x26: {  	v8 =	vand.u32 $0x7FFFFFFF, v5;
	v5 =	vld [tilespmem:s15+$0xFFFFFFF0]  }
0x27: {  	v4 =	vimm.s32 $0x0  }
0x28: {  	v1 =	vand.u32 $0x7FFFFFFF, v1;
	v0 =	vand.u32 $0x7FFFFFFF, v0;
	v2 =	vand.u32 $0x7FFFFFFF, v2  }
0x29: {  	s14 =	simm.s32 $0x0;
	v7 =	vand.u32 $0x7FFFFFFF, v7;
	v6 =	vand.u32 $0x7FFFFFFF, v6;
	s15 =	simm.s32 $0x140;
	vm0 =	vgt.f32 v8, $1.000000050e-03  }
.LBB2_6:
0x2a: {  	v8 =	vld [tilespmem:s15+$0x30];
	v9 =	vmpcnt.ones.xlane vm0;
	vm0 =	vgt.f32 v7, $1.000000050e-03;
	v3 =	vand.u32 $0x7FFFFFFF, v3  }
0x2b: {  	v7 =	vld [tilespmem:s15+$0x20];
	v10 =	vmpcnt.ones.xlane vm0;
	vm0 =	vgt.f32 v3, $1.000000050e-03;
	v3 =	vand.u32 $0x7FFFFFFF, v5  }
0x2c: {  	v11 =	vld [tilespmem:s15+$0x10];
	v4 =	vadd.s32 v4, v9;
	v5 =	vmpcnt.ones.xlane vm0;
	vm0 =	vgt.f32 v3, $1.000000050e-03  }
0x2d: {  	v9 =	vld [tilespmem:s15+$0x0];
	v3 =	vadd.s32 v10, v4;
	v4 =	vmpcnt.ones.xlane vm0;
	vm0 =	vgt.f32 v6, $1.000000050e-03  }
0x2e: {  	s14 =	sadd.s32 $0x8, s14;
	v6 =	vld [tilespmem:s15+$0xFFFFFFC0];
	v3 =	vadd.s32 v5, v3;
	v5 =	vmpcnt.ones.xlane vm0;
	vm0 =	vgt.f32 v2, $1.000000050e-03  }
0x2f: {  	p0 =	slt.u32 s14, $0x7F8;
	v10 =	vld [tilespmem:s15+$0xFFFFFFD0];
	v2 =	vadd.s32 v4, v3;
	v4 =	vmpcnt.ones.xlane vm0;
	vm0 =	vgt.f32 v1, $1.000000050e-03  }
.Ltmp2:
0x30: {  	v3 =	vld [tilespmem:s15+$0xFFFFFFE0];
	v1 =	vadd.s32 v5, v2;
	v2 =	vmpcnt.ones.xlane vm0;
	vm0 =	vgt.f32 v0, $1.000000050e-03;
	(pc) =	sbr.rel @p0 .LBB2_6-.Ltmp2, $4  }
0x31: {  	v5 =	vld [tilespmem:s15+$0xFFFFFFF0];
	v4 =	vadd.s32 v4, v1;
	v12 =	vmpcnt.ones.xlane vm0  }
0x32: {  	v0 =	vand.u32 $0x7FFFFFFF, v8;
	v1 =	vand.u32 $0x7FFFFFFF, v7;
	v4 =	vadd.s32 v2, v4  }
0x33: {  	v2 =	vand.u32 $0x7FFFFFFF, v11;
	v6 =	vand.u32 $0x7FFFFFFF, v6;
	v4 =	vadd.s32 v12, v4  }
0x34: {  	s15 =	sadd.s32 $0x100, s15;
	vm0 =	vgt.f32 v6, $1.000000050e-03;
	v7 =	vand.u32 $0x7FFFFFFF, v10;
	v6 =	vand.u32 $0x7FFFFFFF, v9  }
0x35: {  	v8 =	vmpcnt.ones.xlane vm0;
	vm9 =	vgt.f32 v7, $1.000000050e-03;
	v3 =	vand.u32 $0x7FFFFFFF, v3  }
0x36: {  	v7 =	vmpcnt.ones.xlane vm9;
	vm10 =	vgt.f32 v3, $1.000000050e-03;
	v53 =	vand.u32 $0x7FFFFFFF, v5  }
0x37: {  	v4 =	vadd.s32 v4, v8;
	v54 =	vmpcnt.ones.xlane vm10;
	vm11 =	vgt.f32 v53, $1.000000050e-03  }
0x38: {  	vm12 =	vgt.f32 v6, $1.000000050e-03;
	v55 =	vadd.s32 v7, v4;
	v56 =	vmpcnt.ones.xlane vm11  }
0x39: {  	vm13 =	vgt.f32 v2, $1.000000050e-03;
	v57 =	vmpcnt.ones.xlane vm12;
	v3 =	vadd.s32 v54, v55  }
0x3a: {  	vm14 =	vgt.f32 v1, $1.000000050e-03;
	v59 =	vmpcnt.ones.xlane vm13;
	v58 =	vadd.s32 v56, v3  }
0x3b: {  	vm15 =	vgt.f32 v0, $1.000000050e-03;
	v61 =	vmpcnt.ones.xlane vm14;
	v60 =	vadd.s32 v57, v58  }
0x3c: {  	v63 =	vmpcnt.ones.xlane vm15;
	v62 =	vadd.s32 v59, v60  }
0x3d: {  	v0 =	vadd.s32 v61, v62  }
0x3e: {  	v0 =	vadd.s32 v63, v0  }
0x3f: {  	v0 =	vcvt.s32.f32 v0  }
0x40: {  	s14 =	simm.s32 $0x0  }
0x41: {  	s15 =	simm.s32 $0x80;
	s17 =	sadd.s32 $0x0, s5;
	s16 =	simm.s32 $0x100;
	[tilespmem:$0x10000] =	vst v0  }
.LBB2_8:
0x42: {  	[tilespmem:s14], [sflag:$0x1] =	stream.linear.gather [hbm4b:s17+s2], $0x80, $0x38;
	[tilespmem:$0x10200] =	vst v63  }
0x43: {  	s17 =	smov.u32 s15;
	s14 =	smov.u32 s16;
	p0 =	sne.s32 s15, $0x7F80  }
.Ltmp3:
0x44: {  	s15 =	sadd.s32 $0x80, s15;
	(pc) =	sbr.rel @p0 .LBB2_8-.Ltmp3, $2  }
0x45: {  	_ =	sdelay $0x2  }
0x46: {  	s16 =	sadd.s32 $0x100, s16;
	s17 =	sadd.s32 s17, s5  }
0x47: {  	[tilespmem:s14], [sflag:$0x1] =	stream.linear.gather [hbm4b:s17+s2], $0x80, $0x38;
	[tilespmem:$0x10200] =	vst v63  }
0x48: {  	_ =	swait.ge [sflag:s10], $0x8000  }
0x49: {  	[sflag:s10] =	ssyncset.done $0x0  }
0x4a: {  	s15 =	simm.s32 $0xF0;
	[sflag:s10] =	ssyncadd.s32 $0xFFFF8000  }
0x4b: {  	v0 =	vld [tilespmem:s15+$0x0]  }
0x4c: {  	v1 =	vld [tilespmem:s15+$0xFFFFFFF0]  }
0x4d: {  	v5 =	vld [tilespmem:s15+$0xFFFFFF90]  }
0x4e: {  	v2 =	vld [tilespmem:s15+$0xFFFFFFE0]  }
0x4f: {  	v6 =	vld [tilespmem:s15+$0xFFFFFFD0]  }
0x50: {  	v7 =	vld [tilespmem:s15+$0xFFFFFFA0]  }
0x51: {  	v3 =	vld [tilespmem:s15+$0xFFFFFFB0]  }
0x52: {  	v8 =	vand.u32 $0x7FFFFFFF, v5;
	v5 =	vld [tilespmem:s15+$0xFFFFFFC0]  }
0x53: {  	v4 =	vimm.s32 $0x0  }
0x54: {  	v1 =	vand.u32 $0x7FFFFFFF, v1;
	v0 =	vand.u32 $0x7FFFFFFF, v0;
	v2 =	vand.u32 $0x7FFFFFFF, v2  }
0x55: {  	s14 =	simm.s32 $0x0;
	v7 =	vand.u32 $0x7FFFFFFF, v7;
	v6 =	vand.u32 $0x7FFFFFFF, v6;
	s15 =	simm.s32 $0x1F0;
	vm0 =	vgt.f32 v8, $1.000000050e-03  }
.LBB2_10:
0x56: {  	v8 =	vld [tilespmem:s15+$0x0];
	v9 =	vmpcnt.ones.xlane vm0;
	vm0 =	vgt.f32 v7, $1.000000050e-03;
	v3 =	vand.u32 $0x7FFFFFFF, v3  }
0x57: {  	v7 =	vld [tilespmem:s15+$0xFFFFFFF0];
	v10 =	vmpcnt.ones.xlane vm0;
	vm0 =	vgt.f32 v3, $1.000000050e-03;
	v3 =	vand.u32 $0x7FFFFFFF, v5  }
0x58: {  	v11 =	vld [tilespmem:s15+$0xFFFFFFE0];
	v4 =	vadd.s32 v4, v9;
	v5 =	vmpcnt.ones.xlane vm0;
	vm0 =	vgt.f32 v3, $1.000000050e-03  }
0x59: {  	v9 =	vld [tilespmem:s15+$0xFFFFFFD0];
	v3 =	vadd.s32 v10, v4;
	v4 =	vmpcnt.ones.xlane vm0;
	vm0 =	vgt.f32 v6, $1.000000050e-03  }
0x5a: {  	s14 =	sadd.s32 $0x8, s14;
	v6 =	vld [tilespmem:s15+$0xFFFFFF90];
	v3 =	vadd.s32 v5, v3;
	v5 =	vmpcnt.ones.xlane vm0;
	vm0 =	vgt.f32 v2, $1.000000050e-03  }
0x5b: {  	p0 =	slt.u32 s14, $0x7F8;
	v10 =	vld [tilespmem:s15+$0xFFFFFFA0];
	v2 =	vadd.s32 v4, v3;
	v4 =	vmpcnt.ones.xlane vm0;
	vm0 =	vgt.f32 v1, $1.000000050e-03  }
.Ltmp4:
0x5c: {  	v3 =	vld [tilespmem:s15+$0xFFFFFFB0];
	v1 =	vadd.s32 v5, v2;
	v2 =	vmpcnt.ones.xlane vm0;
	vm0 =	vgt.f32 v0, $1.000000050e-03;
	(pc) =	sbr.rel @p0 .LBB2_10-.Ltmp4, $4  }
0x5d: {  	v5 =	vld [tilespmem:s15+$0xFFFFFFC0];
	v4 =	vadd.s32 v4, v1;
	v12 =	vmpcnt.ones.xlane vm0  }
0x5e: {  	v0 =	vand.u32 $0x7FFFFFFF, v8;
	v1 =	vand.u32 $0x7FFFFFFF, v7;
	v4 =	vadd.s32 v2, v4  }
0x5f: {  	v2 =	vand.u32 $0x7FFFFFFF, v11;
	v6 =	vand.u32 $0x7FFFFFFF, v6;
	v4 =	vadd.s32 v12, v4  }
0x60: {  	s15 =	sadd.s32 $0x100, s15;
	vm0 =	vgt.f32 v6, $1.000000050e-03;
	v7 =	vand.u32 $0x7FFFFFFF, v10;
	v6 =	vand.u32 $0x7FFFFFFF, v9  }
0x61: {  	v8 =	vmpcnt.ones.xlane vm0;
	vm9 =	vgt.f32 v7, $1.000000050e-03;
	v3 =	vand.u32 $0x7FFFFFFF, v3  }
0x62: {  	v7 =	vmpcnt.ones.xlane vm9;
	vm10 =	vgt.f32 v3, $1.000000050e-03;
	v53 =	vand.u32 $0x7FFFFFFF, v5  }
0x63: {  	v4 =	vadd.s32 v4, v8;
	v54 =	vmpcnt.ones.xlane vm10;
	vm11 =	vgt.f32 v53, $1.000000050e-03  }
0x64: {  	vm12 =	vgt.f32 v6, $1.000000050e-03;
	v55 =	vadd.s32 v7, v4;
	v56 =	vmpcnt.ones.xlane vm11  }
0x65: {  	vm13 =	vgt.f32 v2, $1.000000050e-03;
	v57 =	vmpcnt.ones.xlane vm12;
	v3 =	vadd.s32 v54, v55  }
0x66: {  	vm14 =	vgt.f32 v1, $1.000000050e-03;
	v59 =	vmpcnt.ones.xlane vm13;
	v58 =	vadd.s32 v56, v3  }
0x67: {  	vm15 =	vgt.f32 v0, $1.000000050e-03;
	v61 =	vmpcnt.ones.xlane vm14;
	v60 =	vadd.s32 v57, v58  }
0x68: {  	v63 =	vmpcnt.ones.xlane vm15;
	v62 =	vadd.s32 v59, v60  }
0x69: {  	v0 =	vadd.s32 v61, v62  }
0x6a: {  	v0 =	vadd.s32 v63, v0  }
0x6b: {  	v0 =	vcvt.s32.f32 v0  }
0x6c: {  	s14 =	simm.s32 $0x80  }
0x6d: {  	s15 =	simm.s32 $0x80;
	s17 =	sadd.s32 $0x0, s6;
	s16 =	simm.s32 $0x180;
	[tilespmem:$0x10080] =	vst v0  }
.LBB2_12:
0x6e: {  	[tilespmem:s14], [sflag:$0x2] =	stream.linear.gather [hbm4b:s17+s2], $0x80, $0x38;
	[tilespmem:$0x10200] =	vst v63  }
0x6f: {  	s17 =	smov.u32 s15;
	s14 =	smov.u32 s16;
	p0 =	sne.s32 s15, $0x7F80  }
.Ltmp5:
0x70: {  	s15 =	sadd.s32 $0x80, s15;
	(pc) =	sbr.rel @p0 .LBB2_12-.Ltmp5, $2  }
0x71: {  	_ =	sdelay $0x2  }
0x72: {  	s16 =	sadd.s32 $0x100, s16;
	s17 =	sadd.s32 s17, s6  }
0x73: {  	[tilespmem:s14], [sflag:$0x2] =	stream.linear.gather [hbm4b:s17+s2], $0x80, $0x38;
	[tilespmem:$0x10200] =	vst v63  }
0x74: {  	_ =	swait.ge [sflag:s9], $0x8000  }
0x75: {  	[sflag:s9] =	ssyncset.done $0x0  }
0x76: {  	s15 =	simm.s32 $0x40;
	[sflag:s9] =	ssyncadd.s32 $0xFFFF8000  }
0x77: {  	v0 =	vld [tilespmem:s15+$0x30]  }
0x78: {  	v1 =	vld [tilespmem:s15+$0x20]  }
0x79: {  	v5 =	vld [tilespmem:s15+$0xFFFFFFC0]  }
0x7a: {  	v2 =	vld [tilespmem:s15+$0x10]  }
0x7b: {  	v6 =	vld [tilespmem:s15+$0x0]  }
0x7c: {  	v7 =	vld [tilespmem:s15+$0xFFFFFFD0]  }
0x7d: {  	v3 =	vld [tilespmem:s15+$0xFFFFFFE0]  }
0x7e: {  	v8 =	vand.u32 $0x7FFFFFFF, v5;
	v5 =	vld [tilespmem:s15+$0xFFFFFFF0]  }
0x7f: {  	v4 =	vimm.s32 $0x0  }
0x80: {  	v1 =	vand.u32 $0x7FFFFFFF, v1;
	v0 =	vand.u32 $0x7FFFFFFF, v0;
	v2 =	vand.u32 $0x7FFFFFFF, v2  }
0x81: {  	s14 =	simm.s32 $0x0;
	v7 =	vand.u32 $0x7FFFFFFF, v7;
	v6 =	vand.u32 $0x7FFFFFFF, v6;
	s15 =	simm.s32 $0x140;
	vm0 =	vgt.f32 v8, $1.000000050e-03  }
.LBB2_14:
0x82: {  	v8 =	vld [tilespmem:s15+$0x30];
	v9 =	vmpcnt.ones.xlane vm0;
	vm0 =	vgt.f32 v7, $1.000000050e-03;
	v3 =	vand.u32 $0x7FFFFFFF, v3  }
0x83: {  	v7 =	vld [tilespmem:s15+$0x20];
	v10 =	vmpcnt.ones.xlane vm0;
	vm0 =	vgt.f32 v3, $1.000000050e-03;
	v3 =	vand.u32 $0x7FFFFFFF, v5  }
0x84: {  	v11 =	vld [tilespmem:s15+$0x10];
	v4 =	vadd.s32 v4, v9;
	v5 =	vmpcnt.ones.xlane vm0;
	vm0 =	vgt.f32 v3, $1.000000050e-03  }
0x85: {  	v9 =	vld [tilespmem:s15+$0x0];
	v3 =	vadd.s32 v10, v4;
	v4 =	vmpcnt.ones.xlane vm0;
	vm0 =	vgt.f32 v6, $1.000000050e-03  }
0x86: {  	s14 =	sadd.s32 $0x8, s14;
	v6 =	vld [tilespmem:s15+$0xFFFFFFC0];
	v3 =	vadd.s32 v5, v3;
	v5 =	vmpcnt.ones.xlane vm0;
	vm0 =	vgt.f32 v2, $1.000000050e-03  }
0x87: {  	p0 =	slt.u32 s14, $0x7F8;
	v10 =	vld [tilespmem:s15+$0xFFFFFFD0];
	v2 =	vadd.s32 v4, v3;
	v4 =	vmpcnt.ones.xlane vm0;
	vm0 =	vgt.f32 v1, $1.000000050e-03  }
.Ltmp6:
0x88: {  	v3 =	vld [tilespmem:s15+$0xFFFFFFE0];
	v1 =	vadd.s32 v5, v2;
	v2 =	vmpcnt.ones.xlane vm0;
	vm0 =	vgt.f32 v0, $1.000000050e-03;
	(pc) =	sbr.rel @p0 .LBB2_14-.Ltmp6, $4  }
0x89: {  	v5 =	vld [tilespmem:s15+$0xFFFFFFF0];
	v4 =	vadd.s32 v4, v1;
	v12 =	vmpcnt.ones.xlane vm0  }
0x8a: {  	v0 =	vand.u32 $0x7FFFFFFF, v8;
	v1 =	vand.u32 $0x7FFFFFFF, v7;
	v4 =	vadd.s32 v2, v4  }
0x8b: {  	v2 =	vand.u32 $0x7FFFFFFF, v11;
	v6 =	vand.u32 $0x7FFFFFFF, v6;
	v4 =	vadd.s32 v12, v4  }
0x8c: {  	s15 =	sadd.s32 $0x100, s15;
	vm0 =	vgt.f32 v6, $1.000000050e-03;
	v7 =	vand.u32 $0x7FFFFFFF, v10;
	v6 =	vand.u32 $0x7FFFFFFF, v9  }
0x8d: {  	v8 =	vmpcnt.ones.xlane vm0;
	vm0 =	vgt.f32 v7, $1.000000050e-03;
	v3 =	vand.u32 $0x7FFFFFFF, v3  }
0x8e: {  	v7 =	vmpcnt.ones.xlane vm0;
	vm0 =	vgt.f32 v3, $1.000000050e-03;
	v3 =	vand.u32 $0x7FFFFFFF, v5  }
0x8f: {  	v4 =	vadd.s32 v4, v8;
	v5 =	vmpcnt.ones.xlane vm0;
	vm0 =	vgt.f32 v3, $1.000000050e-03  }
0x90: {  	v3 =	vadd.s32 v7, v4;
	v4 =	vmpcnt.ones.xlane vm0;
	vm0 =	vgt.f32 v6, $1.000000050e-03  }
0x91: {  	v3 =	vadd.s32 v5, v3;
	v5 =	vmpcnt.ones.xlane vm0;
	vm0 =	vgt.f32 v2, $1.000000050e-03  }
0x92: {  	v2 =	vadd.s32 v4, v3;
	v3 =	vmpcnt.ones.xlane vm0;
	vm0 =	vgt.f32 v1, $1.000000050e-03  }
0x93: {  	v1 =	vadd.s32 v5, v2;
	v2 =	vmpcnt.ones.xlane vm0;
	vm0 =	vgt.f32 v0, $1.000000050e-03  }
0x94: {  	v0 =	vadd.s32 v3, v1;
	v1 =	vmpcnt.ones.xlane vm0  }
0x95: {  	v0 =	vadd.s32 v2, v0  }
0x96: {  	v0 =	vadd.s32 v1, v0  }
0x97: {  	v0 =	vcvt.s32.f32 v0;
	_ =	sdelay $0x1  }
0x98: {  	[tilespmem:$0x10100] =	vst v0  }
0x99: {  	_ =	swait.ge [sflag:s10], $0x8000  }
0x9a: {  	[sflag:s10] =	ssyncset.done $0x0  }
0x9b: {  	s15 =	simm.s32 $0xF0;
	[sflag:s10] =	ssyncadd.s32 $0xFFFF8000  }
0x9c: {  	v0 =	vld [tilespmem:s15+$0x0]  }
0x9d: {  	v1 =	vld [tilespmem:s15+$0xFFFFFFF0]  }
0x9e: {  	v5 =	vld [tilespmem:s15+$0xFFFFFF90]  }
0x9f: {  	v2 =	vld [tilespmem:s15+$0xFFFFFFE0]  }
0xa0: {  	v6 =	vld [tilespmem:s15+$0xFFFFFFD0]  }
0xa1: {  	v7 =	vld [tilespmem:s15+$0xFFFFFFA0]  }
0xa2: {  	v3 =	vld [tilespmem:s15+$0xFFFFFFB0]  }
0xa3: {  	v8 =	vand.u32 $0x7FFFFFFF, v5;
	v5 =	vld [tilespmem:s15+$0xFFFFFFC0]  }
0xa4: {  	v4 =	vimm.s32 $0x0  }
0xa5: {  	v1 =	vand.u32 $0x7FFFFFFF, v1;
	v0 =	vand.u32 $0x7FFFFFFF, v0;
	v2 =	vand.u32 $0x7FFFFFFF, v2  }
0xa6: {  	s14 =	simm.s32 $0x0;
	v7 =	vand.u32 $0x7FFFFFFF, v7;
	v6 =	vand.u32 $0x7FFFFFFF, v6;
	s15 =	simm.s32 $0x1F0;
	vm0 =	vgt.f32 v8, $1.000000050e-03  }
.LBB2_16:
0xa7: {  	v8 =	vld [tilespmem:s15+$0x0];
	v9 =	vmpcnt.ones.xlane vm0;
	vm0 =	vgt.f32 v7, $1.000000050e-03;
	v3 =	vand.u32 $0x7FFFFFFF, v3  }
0xa8: {  	v7 =	vld [tilespmem:s15+$0xFFFFFFF0];
	v10 =	vmpcnt.ones.xlane vm0;
	vm0 =	vgt.f32 v3, $1.000000050e-03;
	v3 =	vand.u32 $0x7FFFFFFF, v5  }
0xa9: {  	v11 =	vld [tilespmem:s15+$0xFFFFFFE0];
	v4 =	vadd.s32 v4, v9;
	v5 =	vmpcnt.ones.xlane vm0;
	vm0 =	vgt.f32 v3, $1.000000050e-03  }
0xaa: {  	v9 =	vld [tilespmem:s15+$0xFFFFFFD0];
	v3 =	vadd.s32 v10, v4;
	v4 =	vmpcnt.ones.xlane vm0;
	vm0 =	vgt.f32 v6, $1.000000050e-03  }
0xab: {  	s14 =	sadd.s32 $0x8, s14;
	v6 =	vld [tilespmem:s15+$0xFFFFFF90];
	v3 =	vadd.s32 v5, v3;
	v5 =	vmpcnt.ones.xlane vm0;
	vm0 =	vgt.f32 v2, $1.000000050e-03  }
0xac: {  	p0 =	slt.u32 s14, $0x7F8;
	v10 =	vld [tilespmem:s15+$0xFFFFFFA0];
	v2 =	vadd.s32 v4, v3;
	v4 =	vmpcnt.ones.xlane vm0;
	vm0 =	vgt.f32 v1, $1.000000050e-03  }
.Ltmp7:
0xad: {  	v3 =	vld [tilespmem:s15+$0xFFFFFFB0];
	v1 =	vadd.s32 v5, v2;
	v2 =	vmpcnt.ones.xlane vm0;
	vm0 =	vgt.f32 v0, $1.000000050e-03;
	(pc) =	sbr.rel @p0 .LBB2_16-.Ltmp7, $4  }
0xae: {  	v5 =	vld [tilespmem:s15+$0xFFFFFFC0];
	v4 =	vadd.s32 v4, v1;
	v12 =	vmpcnt.ones.xlane vm0  }
0xaf: {  	v0 =	vand.u32 $0x7FFFFFFF, v8;
	v1 =	vand.u32 $0x7FFFFFFF, v7;
	v4 =	vadd.s32 v2, v4  }
0xb0: {  	v2 =	vand.u32 $0x7FFFFFFF, v11;
	v6 =	vand.u32 $0x7FFFFFFF, v6;
	v4 =	vadd.s32 v12, v4  }
0xb1: {  	s15 =	sadd.s32 $0x100, s15;
	vm0 =	vgt.f32 v6, $1.000000050e-03;
	v7 =	vand.u32 $0x7FFFFFFF, v10;
	v6 =	vand.u32 $0x7FFFFFFF, v9  }
0xb2: {  	v8 =	vmpcnt.ones.xlane vm0;
	vm9 =	vgt.f32 v7, $1.000000050e-03;
	v3 =	vand.u32 $0x7FFFFFFF, v3  }
0xb3: {  	v7 =	vmpcnt.ones.xlane vm9;
	vm10 =	vgt.f32 v3, $1.000000050e-03;
	v53 =	vand.u32 $0x7FFFFFFF, v5  }
0xb4: {  	v4 =	vadd.s32 v4, v8;
	v54 =	vmpcnt.ones.xlane vm10;
	vm11 =	vgt.f32 v53, $1.000000050e-03  }
0xb5: {  	vm12 =	vgt.f32 v6, $1.000000050e-03;
	v55 =	vadd.s32 v7, v4;
	v56 =	vmpcnt.ones.xlane vm11  }
0xb6: {  	vm13 =	vgt.f32 v2, $1.000000050e-03;
	v57 =	vmpcnt.ones.xlane vm12;
	v3 =	vadd.s32 v54, v55  }
0xb7: {  	vm14 =	vgt.f32 v1, $1.000000050e-03;
	v59 =	vmpcnt.ones.xlane vm13;
	v58 =	vadd.s32 v56, v3  }
0xb8: {  	vm15 =	vgt.f32 v0, $1.000000050e-03;
	v61 =	vmpcnt.ones.xlane vm14;
	v60 =	vadd.s32 v57, v58  }
0xb9: {  	v63 =	vmpcnt.ones.xlane vm15;
	v62 =	vadd.s32 v59, v60  }
0xba: {  	v0 =	vadd.s32 v61, v62  }
0xbb: {  	v0 =	vadd.s32 v63, v0  }
0xbc: {  	s13 =	sadd.s32 $0x1, s13;
	v0 =	vcvt.s32.f32 v0  }
0xbd: {  	p0 =	sne.s32 s13, s8  }
.Ltmp8:
0xbe: {  	[tilespmem:$0x10180] =	vst v0;
	(pc) =	sbr.rel @p0 .LBB2_1-.Ltmp8, $4  }
0xbf: {  	[hbm4b:s7+s2] =	stream.linear.scatter [tilespmem:s11], [sflag:$0x3], $0x200, $0x38;
	[tilespmem:$0x10200] =	vst v63  }
0xc0: {  	_ =	swait.ge [sflag:s12], $0x200  }
0xc1: {  	[sflag:s12] =	ssyncset.done $0x0  }
0xc2: {  	[sflag:s12] =	ssyncadd.s32 $0xFFFFFE00  }
0xc3: {  	_ =	sfence.sel $0x180000  }
0xc4: {  	[bflag:$0x0] =	sbarrier.arrive $0xFFFF  }
0xc5: {  	p0 =	sne.s32 s1, $0x0;
	_ =	strace $0x90000047  }
0xc6: {  	s0 =	sadd.s32 @!p0 $0x100000, s0;
	[bflag:$0x2] =	sbarrier.arrive $0xFFFF  }
0xc7: {  	[sflag:s0] =	ssyncadd.tile.s32 @!p0 $0x1;
	_ =	shalt  }
.Lfunc_end2:
_tile_overlayer_lowered:
.L_overlay_start_2:
0xc8: {  	(tag) =	ssettag $0x2  }
0xc9: {  	s0 =	rddreg [dreg:$0x0];
	s2 =	stileid.u32  }
0xca: {  	s1 =	rddreg [dreg:$0x1];
	p0 =	sne.s32 s2, $0x0  }
0xcb: {  	s3 =	rddreg [dreg:$0x2];
	[bflag:$0x3] =	sbarrier.arrive $0xFFFF;
	s2 =	simm.s32 @!p0 $0x1C03  }
0xcc: {  	[timem:s3], [sflag:s2] =	dma.local @!p0 [hbm:s0], s1  }
0xcd: {  	s0 =	simm.s32 @!p0 $0x3  }
0xce: {  	_ =	swait.ge @!p0 [sflag:s0], s1  }
0xcf: {  	s1 =	ssub.s32 @!p0 $0x0, s1;
	[sflag:s0] =	ssyncset.done @!p0 $0x0  }
0xd0: {  	[sflag:s0] =	ssyncadd.s32 @!p0 s1  }
0xd1: {  	[bflag:$0x3] =	sbarrier.arrive $0xFFFF  }
0xd2: {  	_ =	shalt  }

</sc_bundles>
